<compile_context>
chip_gen: v7x
topology: tpu7x:2x2x1
jax: 0.10.2.dev20260603
libtpu: 0.0.44.dev20260713+nightly
codegen_flags: <defaults>
</compile_context>

<pallas_src>
import functools

import jax
import jax.numpy as jnp
from jax import lax
from jax.experimental import pallas as pl
from jax.experimental.pallas import tpu as pltpu
from jax.experimental.pallas import tpu_sc as plsc

D_MODEL = 1024
D_HID = 512
N_TILES = 64
N_TOK = 8192

TB = 256
PADN = N_TOK + N_TILES * TB
NB = PADN // TB

NC = 2
NS = 16
NW = NC * NS
_SC_MESH = dict(core_axis_name="c", subcore_axis_name="s",
                num_cores=NC, num_subcores=NS)

GCH = 32


def _sc_gather(gidx, src, n_rows, width=D_MODEL):
    n_per_w = n_rows // NW
    n_chunks = n_per_w // GCH

    @functools.partial(
        pl.kernel,
        mesh=plsc.VectorSubcoreMesh(**_SC_MESH),
        out_type=jax.ShapeDtypeStruct((n_rows, width), jnp.float32),
        scratch_types=[
            pltpu.VMEM((GCH,), jnp.int32),
            pltpu.VMEM((GCH, width), jnp.float32),
            pltpu.SemaphoreType.DMA,
        ],
    )
    def gather_k(gidx_hbm, src_hbm, out_hbm, idx_v, rows_v, sem):
        wid = lax.axis_index("s") * NC + lax.axis_index("c")
        base = wid * n_per_w

        def body(c, carry):
            off = base + c * GCH
            pltpu.sync_copy(gidx_hbm.at[pl.ds(off, GCH)], idx_v)
            pltpu.async_copy(src_hbm.at[idx_v], rows_v, sem).wait()
            pltpu.sync_copy(rows_v, out_hbm.at[pl.ds(off, GCH)])
            return carry

        lax.fori_loop(0, n_chunks, body, 0)

    return gather_k(gidx, src)


def _sc_scatter_rows(dst, src, n_out):
    n_per_w = N_TOK // NW
    n_chunks = n_per_w // GCH

    @functools.partial(
        pl.kernel,
        mesh=plsc.VectorSubcoreMesh(**_SC_MESH),
        out_type=jax.ShapeDtypeStruct((n_out, D_MODEL), jnp.float32),
        scratch_types=[
            pltpu.VMEM((GCH,), jnp.int32),
            pltpu.VMEM((GCH, D_MODEL), jnp.float32),
            pltpu.SemaphoreType.DMA,
        ],
    )
    def scatter_k(dst_hbm, src_hbm, out_hbm, idx_v, rows_v, sem):
        wid = lax.axis_index("s") * NC + lax.axis_index("c")
        base = wid * n_per_w

        def body(c, carry):
            off = base + c * GCH
            pltpu.sync_copy(dst_hbm.at[pl.ds(off, GCH)], idx_v)
            pltpu.sync_copy(src_hbm.at[pl.ds(off, GCH)], rows_v)
            pltpu.async_copy(rows_v, out_hbm.at[idx_v], sem).wait()
            return carry

        lax.fori_loop(0, n_chunks, body, 0)

    return scatter_k(dst, src)


def _ffn_block(be_ref, hp_ref, uw_ref, dw_ref, us_ref, dso_ref, out_ref,
               uws_ref, dws_ref):
    b = pl.program_id(0)
    valid = be_ref[1, b] == 1
    changed = jnp.logical_and(
        valid, jnp.logical_or(b == 0,
                              be_ref[0, b] != be_ref[0, jnp.maximum(b - 1, 0)]))

    @pl.when(changed)
    def _ternarize():
        uws_ref[...] = jnp.sign(uw_ref[0]).astype(jnp.bfloat16)
        dws_ref[...] = jnp.sign(dw_ref[0]).astype(jnp.bfloat16)

    @pl.when(valid)
    def _compute():
        hb = hp_ref[...].astype(jnp.bfloat16)
        hid = lax.dot_general(hb, uws_ref[...], (((1,), (1,)), ((), ())),
                              preferred_element_type=jnp.float32)
        hid = jnp.maximum(hid * us_ref[0], 0.0).astype(jnp.bfloat16)
        o = lax.dot_general(hid, dws_ref[...], (((1,), (1,)), ((), ())),
                            preferred_element_type=jnp.float32)
        out_ref[...] = o * dso_ref[0]


def _grouped_ffn(block_expert, hp, up_w, down_w, up_scale, dso):
    grid_spec = pltpu.PrefetchScalarGridSpec(
        num_scalar_prefetch=1,
        grid=(NB,),
        in_specs=[
            pl.BlockSpec((TB, D_MODEL),
                         lambda b, be: (jnp.where(be[1, b] == 1, b, 0), 0)),
            pl.BlockSpec((1, D_HID, D_MODEL), lambda b, be: (be[0, b], 0, 0)),
            pl.BlockSpec((1, D_MODEL, D_HID), lambda b, be: (be[0, b], 0, 0)),
            pl.BlockSpec((1, 1, D_HID), lambda b, be: (be[0, b], 0, 0)),
            pl.BlockSpec((1, 1, D_MODEL), lambda b, be: (be[0, b], 0, 0)),
        ],
        out_specs=pl.BlockSpec((TB, D_MODEL), lambda b, be: (b, 0)),
        scratch_shapes=[
            pltpu.VMEM((D_HID, D_MODEL), jnp.bfloat16),
            pltpu.VMEM((D_MODEL, D_HID), jnp.bfloat16),
        ],
    )
    return pl.pallas_call(
        _ffn_block,
        grid_spec=grid_spec,
        out_shape=jax.ShapeDtypeStruct((PADN, D_MODEL), jnp.float32),
    )(block_expert, hp, up_w, down_w, up_scale, dso)


def kernel(x, up_w, down_w, up_scale, down_scale, output_scale, norm_weight):
    h = x / jnp.sqrt(jnp.mean(x * x, axis=-1, keepdims=True) + 1e-6) * norm_weight
    sigs = jnp.sign(jnp.sign(up_w).sum(axis=1))
    scores = h @ sigs.T
    assign = jnp.argmax(scores, axis=-1).astype(jnp.int32)

    oh = (assign[:, None] == jnp.arange(N_TILES, dtype=jnp.int32)[None, :])
    running = jnp.cumsum(oh.astype(jnp.int32), axis=0)
    counts = running[-1]
    ranks = jnp.sum(running * oh.astype(jnp.int32), axis=1) - 1
    blocks_per_e = (counts + TB - 1) // TB
    pad_sizes = blocks_per_e * TB
    pstart = jnp.concatenate([jnp.zeros((1,), jnp.int32),
                              jnp.cumsum(pad_sizes)[:-1].astype(jnp.int32)])
    dst = pstart[assign] + ranks
    tok2p = dst
    cb = jnp.cumsum(blocks_per_e).astype(jnp.int32)
    raw_be = jnp.searchsorted(cb, jnp.arange(NB, dtype=jnp.int32),
                              side="right").astype(jnp.int32)
    block_expert = jnp.stack([jnp.minimum(raw_be, N_TILES - 1),
                              (raw_be < N_TILES).astype(jnp.int32)])

    hp = _sc_scatter_rows(dst, h, PADN)
    us3 = up_scale[:, None, :]
    dso = (down_scale * output_scale[:, None])[:, None, :]
    op = _grouped_ffn(block_expert, hp, up_w, down_w, us3, dso)
    tile_out = _sc_gather(tok2p, op, N_TOK)
    return x + tile_out

# --- scband reference (transcript-rebuilt; emitter-appended) ---
"""Pipeline reference for scband-hierarchical-tri-xffn-51934744543463 (READ-ONLY COPY).

The authoritative reference and input builder live on the scoring server;
editing this copy changes nothing except your own understanding.
"""

import jax, jax.numpy as jnp
import numpy as np

D_MODEL = 1024
D_HIDDEN = 512
NUM_TILES = 64
N_TOK = 8192


def ste_sign(w):
    # STESign: sign in forward, identity gradient in backward
    return w + jax.lax.stop_gradient(jnp.sign(w) - w)


def rmsnorm(x, w, eps=1e-6):
    return x / jnp.sqrt(jnp.mean(x * x, axis=-1, keepdims=True) + eps) * w


def setup_inputs(seed: int = 0) -> dict:
    key = jax.random.key(seed)
    ks = jax.random.split(key, 4)
    x = jax.random.normal(ks[0], (N_TOK, D_MODEL), dtype=jnp.float32)
    # stacked tile parameters (per TriXTile init: randn * 0.02, scales = ones)
    up_w = jax.random.normal(ks[1], (NUM_TILES, D_HIDDEN, D_MODEL), dtype=jnp.float32) * 0.02
    down_w = jax.random.normal(ks[2], (NUM_TILES, D_MODEL, D_HIDDEN), dtype=jnp.float32) * 0.02
    up_scale = jnp.ones((NUM_TILES, D_HIDDEN), dtype=jnp.float32)
    down_scale = jnp.ones((NUM_TILES, D_MODEL), dtype=jnp.float32)
    output_scale = jnp.ones((NUM_TILES,), dtype=jnp.float32)
    norm_weight = jnp.ones((D_MODEL,), dtype=jnp.float32)
    return {
        'x': x,
        'up_w': up_w,
        'down_w': down_w,
        'up_scale': up_scale,
        'down_scale': down_scale,
        'output_scale': output_scale,
        'norm_weight': norm_weight,
    }


def reference(x, up_w, down_w, up_scale, down_scale, output_scale, norm_weight):
    # Input normalization (RMSNorm)
    h = rmsnorm(x, norm_weight)
    # Tile signatures: sign(column-sum of ternary up weights)  [num_tiles, d_model]
    sigs = jax.lax.stop_gradient(jnp.sign(jnp.sign(up_w).sum(axis=1)))
    # Content-addressable routing: top-1 tile by signature alignment
    scores = h @ sigs.T                      # [N, num_tiles]
    assign = jnp.argmax(scores, axis=-1)      # [N]
    num_tiles = up_w.shape[0]

    def body(acc, inp):
        e, uw_e, dw_e, us_e, ds_e, os_e = inp
        uw = ste_sign(uw_e)
        dw = ste_sign(dw_e)
        hid = jax.nn.relu((h @ uw.T) * us_e)
        oe = (hid @ dw.T) * ds_e * os_e
        mask = (assign == e)[:, None]
        acc = acc + jnp.where(mask, oe, jnp.zeros_like(oe))
        return acc, None

    tile_out, _ = jax.lax.scan(
        body,
        jnp.zeros_like(h),
        (jnp.arange(num_tiles), up_w, down_w, up_scale, down_scale, output_scale),
    )
    # Residual connection (tile learns delta); dropout rate 0.0 -> identity
    return x + tile_out

if __name__ == "__main__":
    import jax
    _d = setup_inputs()
    print(jax.jit(kernel)(*tuple(_d.values())))

</pallas_src>

<mosaic_0001>
#map = affine_map<(d0, d1) -> (0)>
#map1 = affine_map<(d0, d1) -> (0, 0)>
module attributes {stable_mosaic.version = 14 : i64} {
  func.func @scatter_k(%arg0: i32, %arg1: i32, %arg2: memref<8192xi32, #tpu.memory_space<hbm>>, %arg3: memref<8192x1024xf32, #tpu.memory_space<hbm>>, %arg4: memref<24576x1024xf32, #tpu.memory_space<hbm>>, %arg5: memref<32xi32, #tpu.memory_space<vmem>>, %arg6: memref<32x1024xf32, #tpu.memory_space<vmem>>, %arg7: memref<!tpu.dma_semaphore, #tpu.memory_space<semaphore_mem>>) attributes {dimension_semantics = [#tpu.dimension_semantics<core_parallel>, #tpu.dimension_semantics<subcore_parallel>], iteration_bounds = array<i64: 2, 16>, scalar_prefetch = 0 : i64, scratch_operands = 3 : i64, tpu.core_type = #tpu.core_type<sc_vector_subcore>, window_params = [{transform_indices = #map}, {transform_indices = #map1}, {transform_indices = #map1}]} {
    %mul3A = arith.constant 2 : i32
    %mul3A_0 = arith.muli %arg1, %mul3A : i32
    %add3A = arith.addi %mul3A_0, %arg0 : i32
    %mul3A_1 = arith.constant 256 : i32
    %mul3A_2 = arith.muli %add3A, %mul3A_1 : i32
    %scan3A = arith.constant 0 : i32
    %scan3A_3 = arith.constant 0 : i32
    %scan3A_4 = arith.constant 8 : i32
    %scan3A_5 = arith.addi %scan3A_3, %scan3A_4 : i32
    %scan3A_6 = arith.constant 1 : i32
    scf.for %scan3A_8 = %scan3A_3 to %scan3A_5 step %scan3A_6  : i32 {
      %mul3A_9 = arith.constant 32 : i32
      %mul3A_10 = arith.muli %scan3A_8, %mul3A_9 : i32
      %add3A_11 = arith.addi %mul3A_2, %mul3A_10 : i32
      "tpu.region"() ({
        %run_scoped3A = tpu.sem_alloc : memref<!tpu.dma_semaphore, #tpu.memory_space<semaphore_mem>>
        %dma_start3A_16 = tpu.memref_slice %arg2[%add3A_11] : memref<8192xi32, #tpu.memory_space<hbm>> -> memref<32xi32, #tpu.memory_space<hbm>>
        %dma_start3A_17 = tpu.memref_slice %arg2[%add3A_11] : memref<8192xi32, #tpu.memory_space<hbm>> -> memref<32xi32, #tpu.memory_space<hbm>>
        tpu.enqueue_dma source(%dma_start3A_17 : memref<32xi32, #tpu.memory_space<hbm>>) target(%arg5 : memref<32xi32, #tpu.memory_space<vmem>>) target_semaphore(%run_scoped3A : memref<!tpu.dma_semaphore, #tpu.memory_space<semaphore_mem>>)
        %dma_wait3A_18 = tpu.memref_slice %arg2[%add3A_11] : memref<8192xi32, #tpu.memory_space<hbm>> -> memref<32xi32, #tpu.memory_space<hbm>>
        %dma_wait3A_19 = tpu.memref_slice %arg2[%add3A_11] : memref<8192xi32, #tpu.memory_space<hbm>> -> memref<32xi32, #tpu.memory_space<hbm>>
        tpu.wait_dma2 semaphore(%run_scoped3A : memref<!tpu.dma_semaphore, #tpu.memory_space<semaphore_mem>>) src(%dma_wait3A_19 : memref<32xi32, #tpu.memory_space<hbm>>) dst(%arg5 : memref<32xi32, #tpu.memory_space<vmem>>)
        tpu.yield
      }) : () -> ()
      "tpu.region"() ({
        %run_scoped3A = tpu.sem_alloc : memref<!tpu.dma_semaphore, #tpu.memory_space<semaphore_mem>>
        %dma_start3A_16 = arith.constant 0 : i32
        %dma_start3A_17 = tpu.memref_slice %arg3[%add3A_11, %dma_start3A_16] : memref<8192x1024xf32, #tpu.memory_space<hbm>> -> memref<32x1024xf32, #tpu.memory_space<hbm>>
        %dma_start3A_18 = arith.constant 0 : i32
        %dma_start3A_19 = tpu.memref_slice %arg3[%add3A_11, %dma_start3A_18] : memref<8192x1024xf32, #tpu.memory_space<hbm>> -> memref<32x1024xf32, #tpu.memory_space<hbm>>
        tpu.enqueue_dma source(%dma_start3A_19 : memref<32x1024xf32, #tpu.memory_space<hbm>>) target(%arg6 : memref<32x1024xf32, #tpu.memory_space<vmem>>) target_semaphore(%run_scoped3A : memref<!tpu.dma_semaphore, #tpu.memory_space<semaphore_mem>>)
        %dma_wait3A_20 = arith.constant 0 : i32
        %dma_wait3A_21 = tpu.memref_slice %arg3[%add3A_11, %dma_wait3A_20] : memref<8192x1024xf32, #tpu.memory_space<hbm>> -> memref<32x1024xf32, #tpu.memory_space<hbm>>
        %dma_wait3A_22 = arith.constant 0 : i32
        %dma_wait3A_23 = tpu.memref_slice %arg3[%add3A_11, %dma_wait3A_22] : memref<8192x1024xf32, #tpu.memory_space<hbm>> -> memref<32x1024xf32, #tpu.memory_space<hbm>>
        tpu.wait_dma2 semaphore(%run_scoped3A : memref<!tpu.dma_semaphore, #tpu.memory_space<semaphore_mem>>) src(%dma_wait3A_23 : memref<32x1024xf32, #tpu.memory_space<hbm>>) dst(%arg6 : memref<32x1024xf32, #tpu.memory_space<vmem>>)
        tpu.yield
      }) : () -> ()
      %dma_start3A = arith.constant 0 : i32
      %dma_start3A_12 = arith.constant 0 : i32
      %dma_start3A_13 = tpu.memref_slice %arg4[%dma_start3A, %dma_start3A_12] : memref<24576x1024xf32, #tpu.memory_space<hbm>> -> memref<24576x1024xf32, #tpu.memory_space<hbm>>
      tpu.enqueue_indirect_dma source(%arg6 : memref<32x1024xf32, #tpu.memory_space<vmem>>) target(%dma_start3A_13 : memref<24576x1024xf32, #tpu.memory_space<hbm>>) offsets(%arg5 : memref<32xi32, #tpu.memory_space<vmem>>) semaphore(%arg7 : memref<!tpu.dma_semaphore, #tpu.memory_space<semaphore_mem>>)
      %dma_wait3A = arith.constant 0 : i32
      %dma_wait3A_14 = arith.constant 0 : i32
      %dma_wait3A_15 = tpu.memref_slice %arg4[%dma_wait3A, %dma_wait3A_14] : memref<24576x1024xf32, #tpu.memory_space<hbm>> -> memref<24576x1024xf32, #tpu.memory_space<hbm>>
      tpu.wait_indirect_dma semaphore(%arg7 : memref<!tpu.dma_semaphore, #tpu.memory_space<semaphore_mem>>) src(%arg6 : memref<32x1024xf32, #tpu.memory_space<vmem>>) dst(%dma_wait3A_15 : memref<24576x1024xf32, #tpu.memory_space<hbm>>)
    }
    %scan3A_7 = arith.constant 8 : i32
    return
  }
}

#map = affine_map<(d0, d1) -> (0)>
#map1 = affine_map<(d0, d1) -> (0, 0)>
module attributes {stable_mosaic.version = 14 : i64} {
  func.func @gather_k(%arg0: i32, %arg1: i32, %arg2: memref<8192xi32, #tpu.memory_space<hbm>>, %arg3: memref<24576x1024xf32, #tpu.memory_space<hbm>>, %arg4: memref<8192x1024xf32, #tpu.memory_space<hbm>>, %arg5: memref<32xi32, #tpu.memory_space<vmem>>, %arg6: memref<32x1024xf32, #tpu.memory_space<vmem>>, %arg7: memref<!tpu.dma_semaphore, #tpu.memory_space<semaphore_mem>>) attributes {dimension_semantics = [#tpu.dimension_semantics<core_parallel>, #tpu.dimension_semantics<subcore_parallel>], iteration_bounds = array<i64: 2, 16>, scalar_prefetch = 0 : i64, scratch_operands = 3 : i64, tpu.core_type = #tpu.core_type<sc_vector_subcore>, window_params = [{transform_indices = #map}, {transform_indices = #map1}, {transform_indices = #map1}]} {
    %mul3A = arith.constant 2 : i32
    %mul3A_0 = arith.muli %arg1, %mul3A : i32
    %add3A = arith.addi %mul3A_0, %arg0 : i32
    %mul3A_1 = arith.constant 256 : i32
    %mul3A_2 = arith.muli %add3A, %mul3A_1 : i32
    %scan3A = arith.constant 0 : i32
    %scan3A_3 = arith.constant 0 : i32
    %scan3A_4 = arith.constant 8 : i32
    %scan3A_5 = arith.addi %scan3A_3, %scan3A_4 : i32
    %scan3A_6 = arith.constant 1 : i32
    scf.for %scan3A_8 = %scan3A_3 to %scan3A_5 step %scan3A_6  : i32 {
      %mul3A_9 = arith.constant 32 : i32
      %mul3A_10 = arith.muli %scan3A_8, %mul3A_9 : i32
      %add3A_11 = arith.addi %mul3A_2, %mul3A_10 : i32
      "tpu.region"() ({
        %run_scoped3A = tpu.sem_alloc : memref<!tpu.dma_semaphore, #tpu.memory_space<semaphore_mem>>
        %dma_start3A_16 = tpu.memref_slice %arg2[%add3A_11] : memref<8192xi32, #tpu.memory_space<hbm>> -> memref<32xi32, #tpu.memory_space<hbm>>
        %dma_start3A_17 = tpu.memref_slice %arg2[%add3A_11] : memref<8192xi32, #tpu.memory_space<hbm>> -> memref<32xi32, #tpu.memory_space<hbm>>
        tpu.enqueue_dma source(%dma_start3A_17 : memref<32xi32, #tpu.memory_space<hbm>>) target(%arg5 : memref<32xi32, #tpu.memory_space<vmem>>) target_semaphore(%run_scoped3A : memref<!tpu.dma_semaphore, #tpu.memory_space<semaphore_mem>>)
        %dma_wait3A_18 = tpu.memref_slice %arg2[%add3A_11] : memref<8192xi32, #tpu.memory_space<hbm>> -> memref<32xi32, #tpu.memory_space<hbm>>
        %dma_wait3A_19 = tpu.memref_slice %arg2[%add3A_11] : memref<8192xi32, #tpu.memory_space<hbm>> -> memref<32xi32, #tpu.memory_space<hbm>>
        tpu.wait_dma2 semaphore(%run_scoped3A : memref<!tpu.dma_semaphore, #tpu.memory_space<semaphore_mem>>) src(%dma_wait3A_19 : memref<32xi32, #tpu.memory_space<hbm>>) dst(%arg5 : memref<32xi32, #tpu.memory_space<vmem>>)
        tpu.yield
      }) : () -> ()
      %dma_start3A = arith.constant 0 : i32
      %dma_start3A_12 = arith.constant 0 : i32
      %dma_start3A_13 = tpu.memref_slice %arg3[%dma_start3A, %dma_start3A_12] : memref<24576x1024xf32, #tpu.memory_space<hbm>> -> memref<24576x1024xf32, #tpu.memory_space<hbm>>
      tpu.enqueue_indirect_dma source(%dma_start3A_13 : memref<24576x1024xf32, #tpu.memory_space<hbm>>) target(%arg6 : memref<32x1024xf32, #tpu.memory_space<vmem>>) offsets(%arg5 : memref<32xi32, #tpu.memory_space<vmem>>) semaphore(%arg7 : memref<!tpu.dma_semaphore, #tpu.memory_space<semaphore_mem>>)
      %dma_wait3A = arith.constant 0 : i32
      %dma_wait3A_14 = arith.constant 0 : i32
      %dma_wait3A_15 = tpu.memref_slice %arg3[%dma_wait3A, %dma_wait3A_14] : memref<24576x1024xf32, #tpu.memory_space<hbm>> -> memref<24576x1024xf32, #tpu.memory_space<hbm>>
      tpu.wait_indirect_dma semaphore(%arg7 : memref<!tpu.dma_semaphore, #tpu.memory_space<semaphore_mem>>) src(%dma_wait3A_15 : memref<24576x1024xf32, #tpu.memory_space<hbm>>) dst(%arg6 : memref<32x1024xf32, #tpu.memory_space<vmem>>)
      "tpu.region"() ({
        %run_scoped3A = tpu.sem_alloc : memref<!tpu.dma_semaphore, #tpu.memory_space<semaphore_mem>>
        %dma_start3A_16 = arith.constant 0 : i32
        %dma_start3A_17 = tpu.memref_slice %arg4[%add3A_11, %dma_start3A_16] : memref<8192x1024xf32, #tpu.memory_space<hbm>> -> memref<32x1024xf32, #tpu.memory_space<hbm>>
        %dma_start3A_18 = arith.constant 0 : i32
        %dma_start3A_19 = tpu.memref_slice %arg4[%add3A_11, %dma_start3A_18] : memref<8192x1024xf32, #tpu.memory_space<hbm>> -> memref<32x1024xf32, #tpu.memory_space<hbm>>
        tpu.enqueue_dma source(%arg6 : memref<32x1024xf32, #tpu.memory_space<vmem>>) target(%dma_start3A_19 : memref<32x1024xf32, #tpu.memory_space<hbm>>) target_semaphore(%run_scoped3A : memref<!tpu.dma_semaphore, #tpu.memory_space<semaphore_mem>>)
        %dma_wait3A_20 = arith.constant 0 : i32
        %dma_wait3A_21 = tpu.memref_slice %arg4[%add3A_11, %dma_wait3A_20] : memref<8192x1024xf32, #tpu.memory_space<hbm>> -> memref<32x1024xf32, #tpu.memory_space<hbm>>
        %dma_wait3A_22 = arith.constant 0 : i32
        %dma_wait3A_23 = tpu.memref_slice %arg4[%add3A_11, %dma_wait3A_22] : memref<8192x1024xf32, #tpu.memory_space<hbm>> -> memref<32x1024xf32, #tpu.memory_space<hbm>>
        tpu.wait_dma2 semaphore(%run_scoped3A : memref<!tpu.dma_semaphore, #tpu.memory_space<semaphore_mem>>) src(%arg6 : memref<32x1024xf32, #tpu.memory_space<vmem>>) dst(%dma_wait3A_23 : memref<32x1024xf32, #tpu.memory_space<hbm>>)
        tpu.yield
      }) : () -> ()
    }
    %scan3A_7 = arith.constant 8 : i32
    return
  }
}

module attributes {stable_mosaic.version = 14 : i64} {
  func.func @_ffn_block(%arg0: i32, %arg1: memref<2x96xi32, #tpu.memory_space<smem>>, %arg2: memref<256x1024xf32, #tpu.memory_space<vmem>>, %arg3: memref<1x512x1024xf32, #tpu.memory_space<vmem>>, %arg4: memref<1x1024x512xf32, #tpu.memory_space<vmem>>, %arg5: memref<1x1x512xf32, #tpu.memory_space<vmem>>, %arg6: memref<1x1x1024xf32, #tpu.memory_space<vmem>>, %arg7: memref<256x1024xf32, #tpu.memory_space<vmem>>, %arg8: memref<512x1024xbf16, #tpu.memory_space<vmem>>, %arg9: memref<1024x512xbf16, #tpu.memory_space<vmem>>) attributes {dimension_semantics = [#tpu.dimension_semantics<arbitrary>], iteration_bounds = array<i64: 96>, scalar_prefetch = 1 : i64, scratch_operands = 2 : i64, tpu.core_type = #tpu.core_type<tc>, window_params = [{transform_indices = @transform_0, window_bounds = array<i64: 256, 1024>}, {transform_indices = @transform_1, window_bounds = array<i64: 1, 512, 1024>}, {transform_indices = @transform_2, window_bounds = array<i64: 1, 1024, 512>}, {transform_indices = @transform_3, window_bounds = array<i64: 1, 1, 512>}, {transform_indices = @transform_4, window_bounds = array<i64: 1, 1, 1024>}, {transform_indices = @transform_5, window_bounds = array<i64: 256, 1024>}]} {
    %get3A = arith.constant 1 : index
    %get3A_0 = arith.index_cast %arg0 : i32 to index
    %get3A_1 = memref.load %arg1[%get3A, %get3A_0] : memref<2x96xi32, #tpu.memory_space<smem>>
    %eq3A = arith.constant 1 : i32
    %eq3A_2 = arith.cmpi eq, %get3A_1, %eq3A : i32
    %eq3A_3 = arith.constant 0 : i32
    %eq3A_4 = arith.cmpi eq, %arg0, %eq3A_3 : i32
    %get3A_5 = arith.constant 0 : index
    %get3A_6 = arith.index_cast %arg0 : i32 to index
    %get3A_7 = memref.load %arg1[%get3A_5, %get3A_6] : memref<2x96xi32, #tpu.memory_space<smem>>
    %sub3A = arith.constant 1 : i32
    %sub3A_8 = arith.subi %arg0, %sub3A : i32
    %max3A = arith.constant 0 : i32
    %max3A_9 = arith.maxsi %sub3A_8, %max3A : i32
    %get3A_10 = arith.constant 0 : index
    %get3A_11 = arith.index_cast %max3A_9 : i32 to index
    %get3A_12 = memref.load %arg1[%get3A_10, %get3A_11] : memref<2x96xi32, #tpu.memory_space<smem>>
    %ne3A = arith.cmpi ne, %get3A_7, %get3A_12 : i32
    %or3A = arith.ori %eq3A_4, %ne3A : i1
    %and3A = arith.andi %eq3A_2, %or3A : i1
    %convert_element_type3A = arith.extui %and3A : i1 to i32
    %cond3A = arith.constant 0 : i32
    %cond3A_13 = arith.cmpi ne, %convert_element_type3A, %cond3A : i32
    scf.if %cond3A_13 {
      %get3A_17 = arith.constant 0 : index
      %get3A_18 = arith.constant 0 : index
      %get3A_19 = arith.constant 0 : index
      %get3A_20 = vector.load %arg3[%get3A_17, %get3A_18, %get3A_19] : memref<1x512x1024xf32, #tpu.memory_space<vmem>>, vector<1x512x1024xf32>
      %get3A_21 = vector.shape_cast %get3A_20 : vector<1x512x1024xf32> to vector<512x1024xf32>
      %sign3A = tpu.bitcast %get3A_21 : vector<512x1024xf32> -> vector<512x1024xi32>
      %sign3A_22 = arith.constant -2147483648 : i32
      %sign3A_23 = vector.broadcast %sign3A_22 : i32 to vector<512x1024xi32>
      %sign3A_24 = arith.andi %sign3A, %sign3A_23 : vector<512x1024xi32>
      %sign3A_25 = arith.constant 1065353216 : i32
      %sign3A_26 = vector.broadcast %sign3A_25 : i32 to vector<512x1024xi32>
      %sign3A_27 = arith.ori %sign3A_26, %sign3A_24 : vector<512x1024xi32>
      %sign3A_28 = tpu.bitcast %sign3A_27 : vector<512x1024xi32> -> vector<512x1024xf32>
      %sign3A_29 = math.absf %get3A_21 : vector<512x1024xf32>
      %sign3A_30 = arith.constant 0.000000e+00 : f32
      %sign3A_31 = vector.broadcast %sign3A_30 : f32 to vector<512x1024xf32>
      %sign3A_32 = arith.cmpf ogt, %sign3A_29, %sign3A_31 : vector<512x1024xf32>
      %sign3A_33 = arith.select %sign3A_32, %sign3A_28, %get3A_21 : vector<512x1024xi1>, vector<512x1024xf32>
      %convert_element_type3A_34 = arith.truncf %sign3A_33 : vector<512x1024xf32> to vector<512x1024xbf16>
      %swap3A = arith.constant 0 : index
      %swap3A_35 = arith.constant 0 : index
      %swap3A_36 = vector.load %arg8[%swap3A, %swap3A_35] : memref<512x1024xbf16, #tpu.memory_space<vmem>>, vector<512x1024xbf16>
      tpu.vector_store %arg8[%swap3A, %swap3A_35], %convert_element_type3A_34 {strides = array<i32>} : memref<512x1024xbf16, #tpu.memory_space<vmem>>, vector<512x1024xbf16>,
      %get3A_37 = arith.constant 0 : index
      %get3A_38 = arith.constant 0 : index
      %get3A_39 = arith.constant 0 : index
      %get3A_40 = vector.load %arg4[%get3A_37, %get3A_38, %get3A_39] : memref<1x1024x512xf32, #tpu.memory_space<vmem>>, vector<1x1024x512xf32>
      %get3A_41 = vector.shape_cast %get3A_40 : vector<1x1024x512xf32> to vector<1024x512xf32>
      %sign3A_42 = tpu.bitcast %get3A_41 : vector<1024x512xf32> -> vector<1024x512xi32>
      %sign3A_43 = arith.constant -2147483648 : i32
      %sign3A_44 = vector.broadcast %sign3A_43 : i32 to vector<1024x512xi32>
      %sign3A_45 = arith.andi %sign3A_42, %sign3A_44 : vector<1024x512xi32>
      %sign3A_46 = arith.constant 1065353216 : i32
      %sign3A_47 = vector.broadcast %sign3A_46 : i32 to vector<1024x512xi32>
      %sign3A_48 = arith.ori %sign3A_47, %sign3A_45 : vector<1024x512xi32>
      %sign3A_49 = tpu.bitcast %sign3A_48 : vector<1024x512xi32> -> vector<1024x512xf32>
      %sign3A_50 = math.absf %get3A_41 : vector<1024x512xf32>
      %sign3A_51 = arith.constant 0.000000e+00 : f32
      %sign3A_52 = vector.broadcast %sign3A_51 : f32 to vector<1024x512xf32>
      %sign3A_53 = arith.cmpf ogt, %sign3A_50, %sign3A_52 : vector<1024x512xf32>
      %sign3A_54 = arith.select %sign3A_53, %sign3A_49, %get3A_41 : vector<1024x512xi1>, vector<1024x512xf32>
      %convert_element_type3A_55 = arith.truncf %sign3A_54 : vector<1024x512xf32> to vector<1024x512xbf16>
      %swap3A_56 = arith.constant 0 : index
      %swap3A_57 = arith.constant 0 : index
      %swap3A_58 = vector.load %arg9[%swap3A_56, %swap3A_57] : memref<1024x512xbf16, #tpu.memory_space<vmem>>, vector<1024x512xbf16>
      tpu.vector_store %arg9[%swap3A_56, %swap3A_57], %convert_element_type3A_55 {strides = array<i32>} : memref<1024x512xbf16, #tpu.memory_space<vmem>>, vector<1024x512xbf16>,
    } else {
    }
    %convert_element_type3A_14 = arith.extui %eq3A_2 : i1 to i32
    %cond3A_15 = arith.constant 0 : i32
    %cond3A_16 = arith.cmpi ne, %convert_element_type3A_14, %cond3A_15 : i32
    scf.if %cond3A_16 {
      %get3A_17 = arith.constant 0 : index
      %get3A_18 = arith.constant 0 : index
      %get3A_19 = vector.load %arg2[%get3A_17, %get3A_18] : memref<256x1024xf32, #tpu.memory_space<vmem>>, vector<256x1024xf32>
      %convert_element_type3A_20 = arith.truncf %get3A_19 : vector<256x1024xf32> to vector<256x1024xbf16>
      %get3A_21 = arith.constant 0 : index
      %get3A_22 = arith.constant 0 : index
      %get3A_23 = vector.load %arg8[%get3A_21, %get3A_22] : memref<512x1024xbf16, #tpu.memory_space<vmem>>, vector<512x1024xbf16>
      %dot_general3A = arith.constant dense<0.000000e+00> : vector<256x512xf32>
      %dot_general3A_24 = tpu.matmul %convert_element_type3A_20, %get3A_23, %dot_general3A {dimension_numbers = #tpu.dot_dimension_numbers<[1], [1], [0], [0], [0, 0, 1, 0], [], []>, transpose_lhs_hint = false} : vector<256x1024xbf16>, vector<512x1024xbf16>, vector<256x512xf32> -> vector<256x512xf32>
      %get3A_25 = arith.constant 0 : index
      %get3A_26 = arith.constant 0 : index
      %get3A_27 = arith.constant 0 : index
      %get3A_28 = vector.load %arg5[%get3A_25, %get3A_26, %get3A_27] : memref<1x1x512xf32, #tpu.memory_space<vmem>>, vector<1x1x512xf32>
      %get3A_29 = vector.shape_cast %get3A_28 : vector<1x1x512xf32> to vector<1x512xf32>
      %mul3A = vector.broadcast %get3A_29 : vector<1x512xf32> to vector<256x512xf32>
      %mul3A_30 = arith.mulf %dot_general3A_24, %mul3A : vector<256x512xf32>
      %max3A_31 = arith.constant 0.000000e+00 : f32
      %max3A_32 = vector.broadcast %max3A_31 : f32 to vector<256x512xf32>
      %max3A_33 = arith.maximumf %mul3A_30, %max3A_32 : vector<256x512xf32>
      %convert_element_type3A_34 = arith.truncf %max3A_33 : vector<256x512xf32> to vector<256x512xbf16>
      %get3A_35 = arith.constant 0 : index
      %get3A_36 = arith.constant 0 : index
      %get3A_37 = vector.load %arg9[%get3A_35, %get3A_36] : memref<1024x512xbf16, #tpu.memory_space<vmem>>, vector<1024x512xbf16>
      %dot_general3A_38 = arith.constant dense<0.000000e+00> : vector<256x1024xf32>
      %dot_general3A_39 = tpu.matmul %convert_element_type3A_34, %get3A_37, %dot_general3A_38 {dimension_numbers = #tpu.dot_dimension_numbers<[1], [1], [0], [0], [0, 0, 1, 0], [], []>, transpose_lhs_hint = false} : vector<256x512xbf16>, vector<1024x512xbf16>, vector<256x1024xf32> -> vector<256x1024xf32>
      %get3A_40 = arith.constant 0 : index
      %get3A_41 = arith.constant 0 : index
      %get3A_42 = arith.constant 0 : index
      %get3A_43 = vector.load %arg6[%get3A_40, %get3A_41, %get3A_42] : memref<1x1x1024xf32, #tpu.memory_space<vmem>>, vector<1x1x1024xf32>
      %get3A_44 = vector.shape_cast %get3A_43 : vector<1x1x1024xf32> to vector<1x1024xf32>
      %mul3A_45 = vector.broadcast %get3A_44 : vector<1x1024xf32> to vector<256x1024xf32>
      %mul3A_46 = arith.mulf %dot_general3A_39, %mul3A_45 : vector<256x1024xf32>
      %swap3A = arith.constant 0 : index
      %swap3A_47 = arith.constant 0 : index
      %swap3A_48 = vector.load %arg7[%swap3A, %swap3A_47] : memref<256x1024xf32, #tpu.memory_space<vmem>>, vector<256x1024xf32>
      tpu.vector_store %arg7[%swap3A, %swap3A_47], %mul3A_46 {strides = array<i32>} : memref<256x1024xf32, #tpu.memory_space<vmem>>, vector<256x1024xf32>,
    } else {
    }
    return
  }
  func.func @transform_0(%arg0: i32, %arg1: memref<2x96xi32, #tpu.memory_space<smem>>) -> (i32, i32) {
    %get3A = arith.constant 1 : index
    %get3A_0 = arith.index_cast %arg0 : i32 to index
    %get3A_1 = memref.load %arg1[%get3A, %get3A_0] : memref<2x96xi32, #tpu.memory_space<smem>>
    %eq3A = arith.constant 1 : i32
    %eq3A_2 = arith.cmpi eq, %get3A_1, %eq3A : i32
    %jit3A = arith.constant 0 : i32
    %select_n3A = arith.select %eq3A_2, %arg0, %jit3A : i32
    %c0_i32 = arith.constant 0 : i32
    %c0_i32_3 = arith.constant 0 : i32
    return %select_n3A, %c0_i32 : i32, i32
  }
  func.func @transform_1(%arg0: i32, %arg1: memref<2x96xi32, #tpu.memory_space<smem>>) -> (i32, i32, i32) {
    %get3A = arith.constant 0 : index
    %get3A_0 = arith.index_cast %arg0 : i32 to index
    %get3A_1 = memref.load %arg1[%get3A, %get3A_0] : memref<2x96xi32, #tpu.memory_space<smem>>
    %c0_i32 = arith.constant 0 : i32
    %c0_i32_2 = arith.constant 0 : i32
    %c0_i32_3 = arith.constant 0 : i32
    return %get3A_1, %c0_i32, %c0_i32_2 : i32, i32, i32
  }
  func.func @transform_2(%arg0: i32, %arg1: memref<2x96xi32, #tpu.memory_space<smem>>) -> (i32, i32, i32) {
    %get3A = arith.constant 0 : index
    %get3A_0 = arith.index_cast %arg0 : i32 to index
    %get3A_1 = memref.load %arg1[%get3A, %get3A_0] : memref<2x96xi32, #tpu.memory_space<smem>>
    %c0_i32 = arith.constant 0 : i32
    %c0_i32_2 = arith.constant 0 : i32
    %c0_i32_3 = arith.constant 0 : i32
    return %get3A_1, %c0_i32, %c0_i32_2 : i32, i32, i32
  }
  func.func @transform_3(%arg0: i32, %arg1: memref<2x96xi32, #tpu.memory_space<smem>>) -> (i32, i32, i32) {
    %get3A = arith.constant 0 : index
    %get3A_0 = arith.index_cast %arg0 : i32 to index
    %get3A_1 = memref.load %arg1[%get3A, %get3A_0] : memref<2x96xi32, #tpu.memory_space<smem>>
    %c0_i32 = arith.constant 0 : i32
    %c0_i32_2 = arith.constant 0 : i32
    %c0_i32_3 = arith.constant 0 : i32
    return %get3A_1, %c0_i32, %c0_i32_2 : i32, i32, i32
  }
  func.func @transform_4(%arg0: i32, %arg1: memref<2x96xi32, #tpu.memory_space<smem>>) -> (i32, i32, i32) {
    %get3A = arith.constant 0 : index
    %get3A_0 = arith.index_cast %arg0 : i32 to index
    %get3A_1 = memref.load %arg1[%get3A, %get3A_0] : memref<2x96xi32, #tpu.memory_space<smem>>
    %c0_i32 = arith.constant 0 : i32
    %c0_i32_2 = arith.constant 0 : i32
    %c0_i32_3 = arith.constant 0 : i32
    return %get3A_1, %c0_i32, %c0_i32_2 : i32, i32, i32
  }
  func.func @transform_5(%arg0: i32, %arg1: memref<2x96xi32, #tpu.memory_space<smem>>) -> (i32, i32) {
    %c0_i32 = arith.constant 0 : i32
    %c0_i32_0 = arith.constant 0 : i32
    return %arg0, %c0_i32 : i32, i32
  }
}

</mosaic_0001>

<sc_bundles>
// kernel: kernel.5.cloned.1.call-start
scs
__scs_entry_jumppad:
0x0: {  	(pc) =	sbr.rel $0x88, $3  }
0x1: {  	(tag) =	ssettag $0x0;
	lr =	simm.s32 $0x1  }
0x2: {  	[smem:$0x3F9A] =	sst lr;
	_ =	strace $0xD0000000  }
0x3: {  	_ = 	snop  }
0x4: {  	_ = 	snop  }
0x5: {  	_ = 	snop  }
0x6: {  	_ = 	snop  }
0x7: {  	_ = 	snop  }
__scs_overlays_trampoline_lowered:
0x8: {  	[smem:$0x3FA9] =	sst s0  }
0x9: {  	[smem:$0x3FAA] =	sst s1  }
0xa: {  	[smem:$0x3FAB] =	sst s2  }
0xb: {  	[smem:$0x3FAC] =	sst s3  }
0xc: {  	[smem:$0x3FAD] =	sst s4  }
0xd: {  	[smem:$0x3FAE] =	sst s5  }
0xe: {  	[smem:$0x3FAF] =	sst s6  }
0xf: {  	[smem:$0x3FB0] =	sst s7  }
0x10: {  	[smem:$0x3FB1] =	sst s8  }
0x11: {  	[smem:$0x3FB2] =	sst s9;
	s0 =	simm.s32 @!p0 $0x0  }
0x12: {  	s1 =	sld [smem:$0x3F98];
	s0 =	simm.s32 @p0 $0x1  }
0x13: {  	[smem:$0x3FB3] =	sst s0;
	s0 =	simm.s32 @!p1 $0x0  }
0x14: {  	s2 =	sld [smem:$0x3F97];
	s0 =	simm.s32 @p1 $0x1  }
0x15: {  	[smem:$0x3FB4] =	sst s0;
	s0 =	simm.s32 @!p2 $0x0  }
0x16: {  	s3 =	sld [smem:$0x3FDB];
	s0 =	simm.s32 @p2 $0x1  }
0x17: {  	s4 =	simm.s32 $0x1BF5;
	[smem:$0x3FB6] =	sst s0  }
0x18: {  	s0 =	sld [smem:$0x3F99];
	_ =	swait.ge [sflag:s4], $0x0  }
0x19: {  	s7 =	sld [smem:$0x3F9A]  }
0x1a: {  	s8 =	sadd.s32 $0xFFFFE003, lr  }
0x1b: {  	s9 =	sadd.s32 $0xFFFFFEF7, lr;
	s5 =	simm.s32 $0xFFFFFFFF;
	p2 =	slt.u32 s8, $0xFFFFF086  }
0x1c: {  	p1 =	slt.u32 s9, $0xF7A;
	s5 =	simm.s32 @!p2 $0x0  }
0x1d: {  	s5 =	simm.s32 @p1 $0x1;
	p0 =	seq.s32 s7, s2  }
0x1e: {  	s7 =	smul.u32 @!p0 $0xF7A, s2;
	p2 =	seq.s32 @!p0 s5, $0x0  }
0x1f: {  	s9 =	smul.u32 $0xF7A, s1;
	s8 =	simm.s32 @!p0 $0x1BF5;
	p2 =	por !p2, p0  }
0x20: {  	[sflag:s8] =	ssyncset.s32 @!p0 $0xFFFFF086;
	s6 =	sadd.s32 @!p0 s3, s7;
	s7 =	simm.s32 @!p0 $0x108  }
0x21: {  	s3 =	sadd.s32 s3, s9;
	s6 =	sadd.s32 @!p0 $0x88, s6;
	s7 =	simm.s32 @p2 $0x1082  }
0x22: {  	[simem:s7], [sflag:s8] =	dma.local @!p0 [hbm:s6], $0xF7A  }
0x23: {  	s9 =	sor.u32 $0xD0000000, s2;
	s6 =	simm.s32 $0x108;
	_ =	swait.ge @!p0 [sflag:s8], $0x0  }
0x24: {  	s3 =	sadd.s32 $0x88, s3;
	s6 =	simm.s32 @!p1 $0x1082;
	[sflag:s4] =	ssyncset.s32 $0xFFFFF086  }
0x25: {  	[simem:s6], [sflag:s4] =	dma.local [hbm:s3], $0xF7A  }
0x26: {  	[smem:$0x3F9A] =	sst s1;
	(tag) =	ssettag s2;
	_ =	strace s9  }
0x27: {  	s1 =	sld [smem:$0x3FAA]  }
0x28: {  	s2 =	sld [smem:$0x3FAB]  }
0x29: {  	s4 =	sld [smem:$0x3FAD]  }
0x2a: {  	p0 =	seq.s32 s5, $0x0;
	s5 =	sld [smem:$0x3FAE]  }
0x2b: {  	s6 =	sld [smem:$0x3FAF]  }
0x2c: {  	s7 =	sld [smem:$0x3FB0]  }
0x2d: {  	s3 =	simm.s32 $0x108;
	s8 =	sld [smem:$0x3FB1]  }
0x2e: {  	s3 =	simm.s32 @!p0 $0x1082;
	s9 =	sld [smem:$0x3FB2]  }
0x2f: {  	lr =	sadd.s32 s0, s3;
	s0 =	sld [smem:$0x3FA9]  }
0x30: {  	s3 =	sld [smem:$0x3FAC]  }
0x31: {  	[smem:$0x3FB5] =	sst s10  }
0x32: {  	s10 =	sld [smem:$0x3FB3];
	_ =	sdelay $0x3  }
0x33: {  	p0 =	seq.s32 s10, $0x1;
	s10 =	sld [smem:$0x3FB5];
	_ =	sdelay $0x3  }
0x34: {  	[smem:$0x3FB5] =	sst s10  }
0x35: {  	s10 =	sld [smem:$0x3FB4];
	_ =	sdelay $0x3  }
0x36: {  	p1 =	seq.s32 s10, $0x1;
	s10 =	sld [smem:$0x3FB5];
	_ =	sdelay $0x3  }
0x37: {  	[smem:$0x3FB5] =	sst s10  }
0x38: {  	s10 =	sld [smem:$0x3FB6]  }
0x39: {  	_ = 	snop;
	(pc) =	sbr.ind lr, $3  }
0x3a: {  	_ = 	snop  }
0x3b: {  	_ = 	snop  }
0x3c: {  	p2 =	seq.s32 s10, $0x1;
	s10 =	sld [smem:$0x3FB5]  }
0x3d: {  	_ =	shalt  }
0x3e: {  	_ =	shalt  }
0x3f: {  	_ =	shalt  }
0x40: {  	_ =	shalt  }
0x41: {  	_ =	shalt  }
0x42: {  	_ =	shalt  }
0x43: {  	_ =	shalt  }
0x44: {  	_ =	shalt  }
0x45: {  	_ =	shalt  }
0x46: {  	_ =	shalt  }
0x47: {  	_ =	shalt  }
0x48: {  	_ =	shalt  }
0x49: {  	_ =	shalt  }
0x4a: {  	_ =	shalt  }
0x4b: {  	_ =	shalt  }
0x4c: {  	_ =	shalt  }
0x4d: {  	_ =	shalt  }
0x4e: {  	_ =	shalt  }
0x4f: {  	_ =	shalt  }
0x50: {  	_ =	shalt  }
0x51: {  	_ =	shalt  }
0x52: {  	_ =	shalt  }
0x53: {  	_ =	shalt  }
0x54: {  	_ =	shalt  }
0x55: {  	_ =	shalt  }
0x56: {  	_ =	shalt  }
0x57: {  	_ =	shalt  }
0x58: {  	_ =	shalt  }
0x59: {  	_ =	shalt  }
0x5a: {  	_ =	shalt  }
0x5b: {  	_ =	shalt  }
0x5c: {  	_ =	shalt  }
0x5d: {  	_ =	shalt  }
0x5e: {  	_ =	shalt  }
0x5f: {  	_ =	shalt  }
0x60: {  	_ =	shalt  }
0x61: {  	_ =	shalt  }
0x62: {  	_ =	shalt  }
0x63: {  	_ =	shalt  }
0x64: {  	_ =	shalt  }
0x65: {  	_ =	shalt  }
0x66: {  	_ =	shalt  }
0x67: {  	_ =	shalt  }
0x68: {  	_ =	shalt  }
0x69: {  	_ =	shalt  }
0x6a: {  	_ =	shalt  }
0x6b: {  	_ =	shalt  }
0x6c: {  	_ =	shalt  }
0x6d: {  	_ =	shalt  }
0x6e: {  	_ =	shalt  }
0x6f: {  	_ =	shalt  }
0x70: {  	_ =	shalt  }
0x71: {  	_ =	shalt  }
0x72: {  	_ =	shalt  }
0x73: {  	_ =	shalt  }
0x74: {  	_ =	shalt  }
0x75: {  	_ =	shalt  }
0x76: {  	_ =	shalt  }
0x77: {  	_ =	shalt  }
0x78: {  	_ =	shalt  }
0x79: {  	_ =	shalt  }
0x7a: {  	_ =	shalt  }
0x7b: {  	_ =	shalt  }
0x7c: {  	_ =	shalt  }
0x7d: {  	_ =	shalt  }
0x7e: {  	_ =	shalt  }
0x7f: {  	_ =	shalt  }
0x80: {  	_ =	shalt  }
0x81: {  	_ =	shalt  }
0x82: {  	_ =	shalt  }
0x83: {  	_ =	shalt  }
0x84: {  	_ =	shalt  }
0x85: {  	_ =	shalt  }
0x86: {  	_ =	shalt  }
0x87: {  	_ =	shalt  }
.Lfunc_end0:
.L_simem_size_0:
called_computation_lowered:
.L_overlay_start_0:
0x88: {  	s2 =	sld [smem:$0x3FD9]  }
0x89: {  	s3 =	sld [smem:$0x3FFE];
	_ =	sdelay $0x1  }
0x8a: {  	s1 =	srdreg.scid  }
0x8b: {  	s0 =	sand.u32 $0x1, s1  }
0x8c: {  	s17 =	sshll.u32 s0, $0xA;
	s2 =	sadd.s32 s3, s2  }
0x8d: {  	s2 =	sadd.s32 s2, s17  }
0x8e: {  	[smem:$0x3FC1] =	sst s2  }
0x8f: {  	_ = 	snop  }
0x90: {  	s2 =	sld [smem:$0x3FD0];
	(tm) =	ssettm $0x1  }
0x91: {  	s18 =	sld [smem:$0x3FFB];
	_ =	sdelay $0x3  }
0x92: {  	_ =	strace s18  }
0x93: {  	s3 =	sld [smem:$0x3FFC];
	_ =	sdelay $0x3  }
0x94: {  	_ =	strace s3  }
0x95: {  	s3 =	sld [smem:$0x3FFD];
	_ =	sdelay $0x3  }
0x96: {  	_ =	strace s3  }
0x97: {  	_ =	strace $0x8FFFFFFF  }
0x98: {  	s19 =	sld [smem:$0x3FDB];
	_ =	sdelay $0x1  }
0x99: {  	s4 =	simm.s32 $_scs_section_size  }
0x9a: {  	s5 =	simm.s32 $_size__tile_overlayer_lowered;
	s6 =	simm.s32 $_tile_overlayer_lowered  }
0x9b: {  	s22 =	simm.s32 $0x1BFF;
	s21 =	sshll.u32 s6, $0x1;
	s3 =	sadd.s32 s4, s19  }
0x9c: {  	s7 =	simm.s32 $0x0;
	s20 =	sshll.u32 s5, $0x1;
	s5 =	sadd.s32 s21, s3  }
0x9d: {  	[timem:s7], [sflag:s22] =	dma.local [hbm:s5], s20  }
0x9e: {  	_ =	swait.ge [sflag:s22], s20  }
0x9f: {  	s4 =	ssub.s32 $0x0, s20;
	[sflag:s22] =	ssyncset.done $0x0  }
0xa0: {  	[sflag:s22] =	ssyncadd.s32 s4;
	_ =	sdelay $0x1  }
0xa1: {  	s23 =	simm.s32 $0x1B8B  }
0xa2: {  	_ =	swait.ge [sflag:s23], $0x1  }
0xa3: {  	[sflag:s23] =	ssyncset.done $0x0  }
0xa4: {  	s25 =	simm.s32 $0x1B8E;
	s24 =	sld [smem:$0x3FFE];
	[sflag:s23] =	ssyncadd.s32 $0xFFFFFFFF  }
0xa5: {  	s26 =	simm.s32 $execute0_lowered;
	[smem:$0x3FD2] =	sst s25  }
0xa6: {  	s5 =	sshll.u32 s26, $0x1;
	_ =	strace $0x80000046;
	[dreg:$0x1] =	wrdreg $0xFFFFFFFF  }
0xa7: {  	s28 =	simm.s32 $_size_execute0_lowered;
	s3 =	sadd.s32 s3, s5;
	[dreg:$0x0] =	wrdreg $0x0  }
0xa8: {  	s5 =	sshll.u32 s28, $0x1;
	[dreg:$0x2] =	wrdreg s3  }
0xa9: {  	[dreg:$0x3] =	wrdreg s5  }
0xaa: {  	[dreg:$0x4] =	wrdreg $0xC0  }
0xab: {  	_ =	task [dreg:s7], $0x5FFFF  }
0xac: {  	[dreg:$0x1] =	wrdreg $0xFFFFFFFF  }
0xad: {  	[dreg:$0x0] =	wrdreg $0x60  }
0xae: {  	[dreg:$0x2] =	wrdreg s24  }
0xaf: {  	[dreg:$0x3] =	wrdreg s2  }
0xb0: {  	[dreg:$0x4] =	wrdreg $0x9  }
0xb1: {  	_ =	task.clear_ibuf [dreg:s7], $0x5FFFF;
	_ =	strace $0x90000046  }
0xb2: {  	s29 =	simm.s32 $0x9;
	_ =	strace $0x80000048  }
0xb3: {  	_ =	swait.ge [sflag:s29], $0x1  }
0xb4: {  	[sflag:s29] =	ssyncadd.s32 $0xFFFFFFFF  }
0xb5: {  	_ =	strace $0x90000048  }
0xb6: {  	_ =	sfence  }
0xb7: {  	s30 =	sld [smem:$0x0];
	_ =	sdelay $0x2  }
0xb8: {  	s31 =	sshll.u32 s1, $0xD;
	s1 =	sshrl.u32 s1, $0x2  }
0xb9: {  	s3 =	sand.u32 $0x4000, s31;
	s1 =	sadd.s32 s1, s30  }
0xba: {  	s0 =	sor.u32 s3, s0;
	s1 =	sshll.u32 s1, $0x11  }
0xbb: {  	s0 =	sor.u32 s1, s0  }
0xbc: {  	s0 =	sadd.s32 $0x8F2B, s0  }
0xbd: {  	[sflag:s0] =	ssyncadd.remote.s32 $0x1  }
0xbe: {  	_ =	sfence.sel $0xFFFF  }
0xbf: {  	[dreg:$0x0] =	wrdreg $0xFFFFFFFF;
	(pc) =	sbr.abs _section_cstart, $3  }
0xc0: {  	[dreg:$0x1] =	wrdreg $0xFFFFFFFF  }
0xc1: {  	_ =	task.clear_ibuf [dreg:s7], $0x2FFFF;
	_ =	strace $0x9FFFFFFF  }
0xc2: {  	(tm) =	ssettm $0x7FFFFFFF  }
0xc3: {  	_ =	shalt  }
tec
execute0_lowered:
.L_overlay_start_1:
0x0: {  	(tag) =	ssettag $0x1  }
0x1: {  	s1 =	srdreg.scid  }
0x2: {  	s6 =	rddreg [dreg:$0x0];
	s0 =	stileid.u32  }
0x3: {  	s9 =	rddreg [dreg:$0x1];
	s2 =	simm.s32 $0x0;
	s12 =	simm.s32 $0x880  }
0x4: {  	s13 =	simm.s32 $0x1080;
	s14 =	simm.s32 $0x1880;
	s15 =	simm.s32 $0x2080  }
0x5: {  	s16 =	simm.s32 $0x2880;
	s17 =	simm.s32 $0x3080;
	s18 =	simm.s32 $0x3880  }
0x6: {  	s19 =	simm.s32 $0x4080;
	s20 =	simm.s32 $0x4880;
	s21 =	simm.s32 $0x5080  }
0x7: {  	s22 =	simm.s32 $0x5880;
	s23 =	simm.s32 $0x6080;
	s24 =	simm.s32 $0x6880  }
0x8: {  	s25 =	simm.s32 $0x7080;
	s26 =	simm.s32 $0x7880;
	s28 =	simm.s32 $0x1  }
0x9: {  	s29 =	simm.s32 $0x0;
	s8 =	sand.u32 $0x1, s1;
	s3 =	sshll.u32 s0, $0x9  }
0xa: {  	[smem:$0x7FF] =	sst s2;
	s11 =	sshll.u32 s0, $0x10;
	s4 =	sshll.u32 s8, $0x8  }
0xb: {  	s31 =	ssub.s32 $0x2, s8;
	_ =	strace $0x80000047;
	s9 =	sadd.s32 s11, s9  }
0xc: {  	s8 =	sshll.u32 s8, $0xF;
	s11 =	simm.s32 $0x80;
	s3 =	sor.u32 s4, s3  }
0xd: {  	s5 =	sshrl.u32 s31, $0x1;
	s4 =	sadd.s32 $0x8300, s6;
	s8 =	sadd.s32 s8, s9  }
0xe: {  	v2 =	vlaneseq.u32;
	s3 =	sshrl.u32 s3, $0x3;
	s7 =	ssub.s32 s31, s5;
	s5 =	sadd.s32 $0x8400, s6  }
0xf: {  	vm0 =	vmmov $0xffff;
	v1 =	vshrl.u32 v2, $0x3;
	s10 =	sadd.s32 s3, s6;
	s3 =	sadd.s32 $0x8200, s6;
	s6 =	sadd.s32 $0x8500, s6  }
0x10: {  	v0 =	vand.u32 $0x7, v2;
	v2 =	vor.u32 $0x8, v2;
	v1 =	vmul.u32 $0x8, v1;
	s7 =	smax.u32 s7, $0x1;
	s9 =	sadd.s32 $0x7E00, s10;
	s10 =	simm.s32 $0x2  }
.LBB2_1:
0x11: {  	s30 =	smov.u32 s8;
	s31 =	simm.s32 $0x0  }
.LBB2_2:
0x12: {  	s1 =	sadd.s32 s31, s9  }
0x13: {  	[tilespmem:s2], [sflag:$0x2] =	stream.linear.gather [hbm4b:s1+s2], $0x20, $0x38;
	[tilespmem:$0x8080] =	vst v63  }
0x14: {  	_ =	swait.ge [sflag:s10], $0x20  }
0x15: {  	[sflag:s10] =	ssyncset.done $0x0  }
0x16: {  	[sflag:s10] =	ssyncadd.s32 $0xFFFFFFE0  }
0x17: {  	[tilespmem:s11], [sflag:$0x2] =	stream.linear.gather [hbm4b:s30+s2], $0x8000, $0x38;
	[tilespmem:$0x8080] =	vst v63  }
0x18: {  	_ =	swait.ge [sflag:s10], $0x8000  }
0x19: {  	[sflag:s10] =	ssyncset.done $0x0  }
0x1a: {  	[sflag:s10] =	ssyncadd.s32 $0xFFFF8000  }
0x1b: {  	v3 =	vld [tilespmem:$0x0];
	_ =	sdelay $0x4  }
0x1c: {  	v4 =	vshll.u32 v3, $0x3  }
0x1d: {  	v3 =	vand.u32 $0x7, v3;
	v4 =	vand.u32 $0xFFFFFFC0, v4  }
0x1e: {  	v3 =	vor.u32 v3, v4  }
0x1f: {  	v4 =	vperm.xlane v3, v0;
	_ =	sdelay $0x1  }
0x20: {  	v4 =	vadd.s32 v1, v4;
	_ =	sdelay $0x4  }
0x21: {  	[hbm4b:s3+s2] =	stream.indirect_vreg.scatter [tilespmem:s11], [sflag:$0x1], $0x80, v4, vm0, $0xb8;
	[tilespmem:$0x8080] =	vst v63  }
0x22: {  	v3 =	vperm.xlane v3, v2  }
0x23: {  	[hbm4b:s4+s2] =	stream.indirect_vreg.scatter [tilespmem:s12], [sflag:$0x1], $0x80, v4, vm0, $0xb8;
	[tilespmem:$0x8080] =	vst v63  }
0x24: {  	v3 =	vadd.s32 v1, v3  }
0x25: {  	[hbm4b:s5+s2] =	stream.indirect_vreg.scatter [tilespmem:s13], [sflag:$0x1], $0x80, v4, vm0, $0xb8;
	[tilespmem:$0x8080] =	vst v63  }
0x26: {  	_ = 	snop  }
0x27: {  	[hbm4b:s6+s2] =	stream.indirect_vreg.scatter [tilespmem:s14], [sflag:$0x1], $0x80, v4, vm0, $0xb8;
	[tilespmem:$0x8080] =	vst v63  }
0x28: {  	_ = 	snop  }
0x29: {  	[hbm4b:s3+s2] =	stream.indirect_vreg.scatter [tilespmem:s15], [sflag:$0x1], $0x80, v3, vm0, $0xb8;
	[tilespmem:$0x8080] =	vst v63  }
0x2a: {  	_ = 	snop  }
0x2b: {  	[hbm4b:s4+s2] =	stream.indirect_vreg.scatter [tilespmem:s16], [sflag:$0x1], $0x80, v3, vm0, $0xb8;
	[tilespmem:$0x8080] =	vst v63  }
0x2c: {  	_ = 	snop  }
0x2d: {  	[hbm4b:s5+s2] =	stream.indirect_vreg.scatter [tilespmem:s17], [sflag:$0x1], $0x80, v3, vm0, $0xb8;
	[tilespmem:$0x8080] =	vst v63  }
0x2e: {  	_ = 	snop  }
0x2f: {  	[hbm4b:s6+s2] =	stream.indirect_vreg.scatter [tilespmem:s18], [sflag:$0x1], $0x80, v3, vm0, $0xb8;
	[tilespmem:$0x8080] =	vst v63  }
0x30: {  	v3 =	vld [tilespmem:$0x10];
	_ =	sdelay $0x4  }
0x31: {  	v63 =	vshll.u32 v3, $0x3  }
0x32: {  	v3 =	vand.u32 $0x7, v3;
	v4 =	vand.u32 $0xFFFFFFC0, v63  }
0x33: {  	v3 =	vor.u32 v3, v4  }
0x34: {  	v4 =	vperm.xlane v3, v0;
	_ =	sdelay $0x1  }
0x35: {  	v4 =	vadd.s32 v1, v4;
	_ =	sdelay $0x4  }
0x36: {  	[hbm4b:s3+s2] =	stream.indirect_vreg.scatter [tilespmem:s19], [sflag:$0x1], $0x80, v4, vm0, $0xb8;
	[tilespmem:$0x8080] =	vst v63  }
0x37: {  	v3 =	vperm.xlane v3, v2  }
0x38: {  	[hbm4b:s4+s2] =	stream.indirect_vreg.scatter [tilespmem:s20], [sflag:$0x1], $0x80, v4, vm0, $0xb8;
	[tilespmem:$0x8080] =	vst v63  }
0x39: {  	v3 =	vadd.s32 v1, v3  }
0x3a: {  	[hbm4b:s5+s2] =	stream.indirect_vreg.scatter [tilespmem:s21], [sflag:$0x1], $0x80, v4, vm0, $0xb8;
	[tilespmem:$0x8080] =	vst v63  }
0x3b: {  	_ = 	snop  }
0x3c: {  	[hbm4b:s6+s2] =	stream.indirect_vreg.scatter [tilespmem:s22], [sflag:$0x1], $0x80, v4, vm0, $0xb8;
	[tilespmem:$0x8080] =	vst v63  }
0x3d: {  	_ = 	snop  }
0x3e: {  	[hbm4b:s3+s2] =	stream.indirect_vreg.scatter [tilespmem:s23], [sflag:$0x1], $0x80, v3, vm0, $0xb8;
	[tilespmem:$0x8080] =	vst v63  }
0x3f: {  	_ = 	snop  }
0x40: {  	[hbm4b:s4+s2] =	stream.indirect_vreg.scatter [tilespmem:s24], [sflag:$0x1], $0x80, v3, vm0, $0xb8;
	[tilespmem:$0x8080] =	vst v63  }
0x41: {  	p0 =	sne.s32 s31, $0x1C  }
0x42: {  	[hbm4b:s5+s2] =	stream.indirect_vreg.scatter [tilespmem:s25], [sflag:$0x1], $0x80, v3, vm0, $0xb8;
	[tilespmem:$0x8080] =	vst v63  }
.Ltmp0:
0x43: {  	_ = 	snop;
	(pc) =	sbr.rel @p0 .LBB2_2-.Ltmp0, $4  }
0x44: {  	[hbm4b:s6+s2] =	stream.indirect_vreg.scatter [tilespmem:s26], [sflag:$0x1], $0x80, v3, vm0, $0xb8;
	[tilespmem:$0x8080] =	vst v63  }
0x45: {  	_ =	swait.ge [sflag:s28], $0x8000  }
0x46: {  	[sflag:s28] =	ssyncset.done $0x0  }
0x47: {  	s31 =	sadd.s32 $0x4, s31;
	s30 =	sadd.s32 $0x1000, s30;
	[sflag:s28] =	ssyncadd.s32 $0xFFFF8000  }
0x48: {  	s29 =	sadd.s32 $0x1, s29  }
0x49: {  	p0 =	sne.s32 s29, s7  }
.Ltmp1:
0x4a: {  	_ = 	snop;
	(pc) =	sbr.rel @p0 .LBB2_1-.Ltmp1, $1  }
0x4b: {  	_ =	sdelay $0x3  }
0x4c: {  	_ =	sfence.sel $0x180000  }
0x4d: {  	[bflag:$0x0] =	sbarrier.arrive $0xFFFF  }
0x4e: {  	_ =	strace $0x90000047  }
0x4f: {  	[bflag:$0x2] =	sbarrier.arrive $0xFFFF  }
0x50: {  	p0 =	sne.s32 s0, $0x0;
	s0 =	rddreg [dreg:$0x2]  }
0x51: {  	s0 =	sadd.s32 @!p0 $0x100000, s0  }
0x52: {  	[sflag:s0] =	ssyncadd.tile.s32 @!p0 $0x1;
	_ =	shalt  }
.Lfunc_end2:
_tile_overlayer_lowered:
.L_overlay_start_2:
0x53: {  	(tag) =	ssettag $0x2  }
0x54: {  	s0 =	rddreg [dreg:$0x0];
	s2 =	stileid.u32  }
0x55: {  	s1 =	rddreg [dreg:$0x1];
	p0 =	sne.s32 s2, $0x0  }
0x56: {  	s3 =	rddreg [dreg:$0x2];
	[bflag:$0x3] =	sbarrier.arrive $0xFFFF;
	s2 =	simm.s32 @!p0 $0x1C02  }
0x57: {  	[timem:s3], [sflag:s2] =	dma.local @!p0 [hbm:s0], s1  }
0x58: {  	s0 =	simm.s32 @!p0 $0x2  }
0x59: {  	_ =	swait.ge @!p0 [sflag:s0], s1  }
0x5a: {  	s1 =	ssub.s32 @!p0 $0x0, s1;
	[sflag:s0] =	ssyncset.done @!p0 $0x0  }
0x5b: {  	[sflag:s0] =	ssyncadd.s32 @!p0 s1  }
0x5c: {  	[bflag:$0x3] =	sbarrier.arrive $0xFFFF  }
0x5d: {  	_ =	shalt  }

// kernel: kernel.8.cloned.1.call-start
scs
__scs_entry_jumppad:
0x0: {  	(pc) =	sbr.rel $0x88, $3  }
0x1: {  	(tag) =	ssettag $0x0;
	lr =	simm.s32 $0x1  }
0x2: {  	[smem:$0x3F9A] =	sst lr;
	_ =	strace $0xD0000000  }
0x3: {  	_ = 	snop  }
0x4: {  	_ = 	snop  }
0x5: {  	_ = 	snop  }
0x6: {  	_ = 	snop  }
0x7: {  	_ = 	snop  }
__scs_overlays_trampoline_lowered:
0x8: {  	[smem:$0x3FA9] =	sst s0  }
0x9: {  	[smem:$0x3FAA] =	sst s1  }
0xa: {  	[smem:$0x3FAB] =	sst s2  }
0xb: {  	[smem:$0x3FAC] =	sst s3  }
0xc: {  	[smem:$0x3FAD] =	sst s4  }
0xd: {  	[smem:$0x3FAE] =	sst s5  }
0xe: {  	[smem:$0x3FAF] =	sst s6  }
0xf: {  	[smem:$0x3FB0] =	sst s7  }
0x10: {  	[smem:$0x3FB1] =	sst s8  }
0x11: {  	[smem:$0x3FB2] =	sst s9;
	s0 =	simm.s32 @!p0 $0x0  }
0x12: {  	s1 =	sld [smem:$0x3F98];
	s0 =	simm.s32 @p0 $0x1  }
0x13: {  	[smem:$0x3FB3] =	sst s0;
	s0 =	simm.s32 @!p1 $0x0  }
0x14: {  	s2 =	sld [smem:$0x3F97];
	s0 =	simm.s32 @p1 $0x1  }
0x15: {  	[smem:$0x3FB4] =	sst s0;
	s0 =	simm.s32 @!p2 $0x0  }
0x16: {  	s3 =	sld [smem:$0x3FDB];
	s0 =	simm.s32 @p2 $0x1  }
0x17: {  	s4 =	simm.s32 $0x1BF5;
	[smem:$0x3FB6] =	sst s0  }
0x18: {  	s0 =	sld [smem:$0x3F99];
	_ =	swait.ge [sflag:s4], $0x0  }
0x19: {  	s7 =	sld [smem:$0x3F9A]  }
0x1a: {  	s8 =	sadd.s32 $0xFFFFE003, lr  }
0x1b: {  	s9 =	sadd.s32 $0xFFFFFEF7, lr;
	s5 =	simm.s32 $0xFFFFFFFF;
	p2 =	slt.u32 s8, $0xFFFFF086  }
0x1c: {  	p1 =	slt.u32 s9, $0xF7A;
	s5 =	simm.s32 @!p2 $0x0  }
0x1d: {  	s5 =	simm.s32 @p1 $0x1;
	p0 =	seq.s32 s7, s2  }
0x1e: {  	s7 =	smul.u32 @!p0 $0xF7A, s2;
	p2 =	seq.s32 @!p0 s5, $0x0  }
0x1f: {  	s9 =	smul.u32 $0xF7A, s1;
	s8 =	simm.s32 @!p0 $0x1BF5;
	p2 =	por !p2, p0  }
0x20: {  	[sflag:s8] =	ssyncset.s32 @!p0 $0xFFFFF086;
	s6 =	sadd.s32 @!p0 s3, s7;
	s7 =	simm.s32 @!p0 $0x108  }
0x21: {  	s3 =	sadd.s32 s3, s9;
	s6 =	sadd.s32 @!p0 $0x88, s6;
	s7 =	simm.s32 @p2 $0x1082  }
0x22: {  	[simem:s7], [sflag:s8] =	dma.local @!p0 [hbm:s6], $0xF7A  }
0x23: {  	s9 =	sor.u32 $0xD0000000, s2;
	s6 =	simm.s32 $0x108;
	_ =	swait.ge @!p0 [sflag:s8], $0x0  }
0x24: {  	s3 =	sadd.s32 $0x88, s3;
	s6 =	simm.s32 @!p1 $0x1082;
	[sflag:s4] =	ssyncset.s32 $0xFFFFF086  }
0x25: {  	[simem:s6], [sflag:s4] =	dma.local [hbm:s3], $0xF7A  }
0x26: {  	[smem:$0x3F9A] =	sst s1;
	(tag) =	ssettag s2;
	_ =	strace s9  }
0x27: {  	s1 =	sld [smem:$0x3FAA]  }
0x28: {  	s2 =	sld [smem:$0x3FAB]  }
0x29: {  	s4 =	sld [smem:$0x3FAD]  }
0x2a: {  	p0 =	seq.s32 s5, $0x0;
	s5 =	sld [smem:$0x3FAE]  }
0x2b: {  	s6 =	sld [smem:$0x3FAF]  }
0x2c: {  	s7 =	sld [smem:$0x3FB0]  }
0x2d: {  	s3 =	simm.s32 $0x108;
	s8 =	sld [smem:$0x3FB1]  }
0x2e: {  	s3 =	simm.s32 @!p0 $0x1082;
	s9 =	sld [smem:$0x3FB2]  }
0x2f: {  	lr =	sadd.s32 s0, s3;
	s0 =	sld [smem:$0x3FA9]  }
0x30: {  	s3 =	sld [smem:$0x3FAC]  }
0x31: {  	[smem:$0x3FB5] =	sst s10  }
0x32: {  	s10 =	sld [smem:$0x3FB3];
	_ =	sdelay $0x3  }
0x33: {  	p0 =	seq.s32 s10, $0x1;
	s10 =	sld [smem:$0x3FB5];
	_ =	sdelay $0x3  }
0x34: {  	[smem:$0x3FB5] =	sst s10  }
0x35: {  	s10 =	sld [smem:$0x3FB4];
	_ =	sdelay $0x3  }
0x36: {  	p1 =	seq.s32 s10, $0x1;
	s10 =	sld [smem:$0x3FB5];
	_ =	sdelay $0x3  }
0x37: {  	[smem:$0x3FB5] =	sst s10  }
0x38: {  	s10 =	sld [smem:$0x3FB6]  }
0x39: {  	_ = 	snop;
	(pc) =	sbr.ind lr, $3  }
0x3a: {  	_ = 	snop  }
0x3b: {  	_ = 	snop  }
0x3c: {  	p2 =	seq.s32 s10, $0x1;
	s10 =	sld [smem:$0x3FB5]  }
0x3d: {  	_ =	shalt  }
0x3e: {  	_ =	shalt  }
0x3f: {  	_ =	shalt  }
0x40: {  	_ =	shalt  }
0x41: {  	_ =	shalt  }
0x42: {  	_ =	shalt  }
0x43: {  	_ =	shalt  }
0x44: {  	_ =	shalt  }
0x45: {  	_ =	shalt  }
0x46: {  	_ =	shalt  }
0x47: {  	_ =	shalt  }
0x48: {  	_ =	shalt  }
0x49: {  	_ =	shalt  }
0x4a: {  	_ =	shalt  }
0x4b: {  	_ =	shalt  }
0x4c: {  	_ =	shalt  }
0x4d: {  	_ =	shalt  }
0x4e: {  	_ =	shalt  }
0x4f: {  	_ =	shalt  }
0x50: {  	_ =	shalt  }
0x51: {  	_ =	shalt  }
0x52: {  	_ =	shalt  }
0x53: {  	_ =	shalt  }
0x54: {  	_ =	shalt  }
0x55: {  	_ =	shalt  }
0x56: {  	_ =	shalt  }
0x57: {  	_ =	shalt  }
0x58: {  	_ =	shalt  }
0x59: {  	_ =	shalt  }
0x5a: {  	_ =	shalt  }
0x5b: {  	_ =	shalt  }
0x5c: {  	_ =	shalt  }
0x5d: {  	_ =	shalt  }
0x5e: {  	_ =	shalt  }
0x5f: {  	_ =	shalt  }
0x60: {  	_ =	shalt  }
0x61: {  	_ =	shalt  }
0x62: {  	_ =	shalt  }
0x63: {  	_ =	shalt  }
0x64: {  	_ =	shalt  }
0x65: {  	_ =	shalt  }
0x66: {  	_ =	shalt  }
0x67: {  	_ =	shalt  }
0x68: {  	_ =	shalt  }
0x69: {  	_ =	shalt  }
0x6a: {  	_ =	shalt  }
0x6b: {  	_ =	shalt  }
0x6c: {  	_ =	shalt  }
0x6d: {  	_ =	shalt  }
0x6e: {  	_ =	shalt  }
0x6f: {  	_ =	shalt  }
0x70: {  	_ =	shalt  }
0x71: {  	_ =	shalt  }
0x72: {  	_ =	shalt  }
0x73: {  	_ =	shalt  }
0x74: {  	_ =	shalt  }
0x75: {  	_ =	shalt  }
0x76: {  	_ =	shalt  }
0x77: {  	_ =	shalt  }
0x78: {  	_ =	shalt  }
0x79: {  	_ =	shalt  }
0x7a: {  	_ =	shalt  }
0x7b: {  	_ =	shalt  }
0x7c: {  	_ =	shalt  }
0x7d: {  	_ =	shalt  }
0x7e: {  	_ =	shalt  }
0x7f: {  	_ =	shalt  }
0x80: {  	_ =	shalt  }
0x81: {  	_ =	shalt  }
0x82: {  	_ =	shalt  }
0x83: {  	_ =	shalt  }
0x84: {  	_ =	shalt  }
0x85: {  	_ =	shalt  }
0x86: {  	_ =	shalt  }
0x87: {  	_ =	shalt  }
.Lfunc_end0:
.L_simem_size_0:
called_computation.1_lowered:
.L_overlay_start_0:
0x88: {  	s2 =	sld [smem:$0x3FD9]  }
0x89: {  	s3 =	sld [smem:$0x3FFE];
	_ =	sdelay $0x1  }
0x8a: {  	s1 =	srdreg.scid  }
0x8b: {  	s0 =	sand.u32 $0x1, s1  }
0x8c: {  	s17 =	sshll.u32 s0, $0xA;
	s2 =	sadd.s32 s3, s2  }
0x8d: {  	s2 =	sadd.s32 s2, s17  }
0x8e: {  	[smem:$0x3FC1] =	sst s2  }
0x8f: {  	_ = 	snop  }
0x90: {  	s2 =	sld [smem:$0x3FD0];
	(tm) =	ssettm $0x1  }
0x91: {  	s18 =	sld [smem:$0x3FFB];
	_ =	sdelay $0x3  }
0x92: {  	_ =	strace s18  }
0x93: {  	s3 =	sld [smem:$0x3FFC];
	_ =	sdelay $0x3  }
0x94: {  	_ =	strace s3  }
0x95: {  	s3 =	sld [smem:$0x3FFD];
	_ =	sdelay $0x3  }
0x96: {  	_ =	strace s3  }
0x97: {  	_ =	strace $0x8FFFFFFF  }
0x98: {  	s19 =	sld [smem:$0x3FDB];
	_ =	sdelay $0x1  }
0x99: {  	s4 =	simm.s32 $_scs_section_size  }
0x9a: {  	s5 =	simm.s32 $_size__tile_overlayer_lowered;
	s6 =	simm.s32 $_tile_overlayer_lowered  }
0x9b: {  	s22 =	simm.s32 $0x1BFF;
	s21 =	sshll.u32 s6, $0x1;
	s3 =	sadd.s32 s4, s19  }
0x9c: {  	s7 =	simm.s32 $0x0;
	s20 =	sshll.u32 s5, $0x1;
	s5 =	sadd.s32 s21, s3  }
0x9d: {  	[timem:s7], [sflag:s22] =	dma.local [hbm:s5], s20  }
0x9e: {  	_ =	swait.ge [sflag:s22], s20  }
0x9f: {  	s4 =	ssub.s32 $0x0, s20;
	[sflag:s22] =	ssyncset.done $0x0  }
0xa0: {  	[sflag:s22] =	ssyncadd.s32 s4;
	_ =	sdelay $0x1  }
0xa1: {  	s23 =	simm.s32 $0x1B8B  }
0xa2: {  	_ =	swait.ge [sflag:s23], $0x1  }
0xa3: {  	[sflag:s23] =	ssyncset.done $0x0  }
0xa4: {  	s25 =	simm.s32 $0x1B8E;
	s24 =	sld [smem:$0x3FFE];
	[sflag:s23] =	ssyncadd.s32 $0xFFFFFFFF  }
0xa5: {  	s26 =	simm.s32 $execute0_lowered;
	[smem:$0x3FD2] =	sst s25  }
0xa6: {  	s5 =	sshll.u32 s26, $0x1;
	_ =	strace $0x80000049;
	[dreg:$0x1] =	wrdreg $0xFFFFFFFF  }
0xa7: {  	s28 =	simm.s32 $_size_execute0_lowered;
	s3 =	sadd.s32 s3, s5;
	[dreg:$0x0] =	wrdreg $0x0  }
0xa8: {  	s5 =	sshll.u32 s28, $0x1;
	[dreg:$0x2] =	wrdreg s3  }
0xa9: {  	[dreg:$0x3] =	wrdreg s5  }
0xaa: {  	[dreg:$0x4] =	wrdreg $0xC0  }
0xab: {  	_ =	task [dreg:s7], $0x5FFFF  }
0xac: {  	[dreg:$0x1] =	wrdreg $0xFFFFFFFF  }
0xad: {  	[dreg:$0x0] =	wrdreg $0x60  }
0xae: {  	[dreg:$0x2] =	wrdreg s24  }
0xaf: {  	[dreg:$0x3] =	wrdreg s2  }
0xb0: {  	[dreg:$0x4] =	wrdreg $0x9  }
0xb1: {  	_ =	task.clear_ibuf [dreg:s7], $0x5FFFF;
	_ =	strace $0x90000049  }
0xb2: {  	s29 =	simm.s32 $0x9;
	_ =	strace $0x8000004B  }
0xb3: {  	_ =	swait.ge [sflag:s29], $0x1  }
0xb4: {  	[sflag:s29] =	ssyncadd.s32 $0xFFFFFFFF  }
0xb5: {  	_ =	strace $0x9000004B  }
0xb6: {  	_ =	sfence  }
0xb7: {  	s30 =	sld [smem:$0x0];
	_ =	sdelay $0x2  }
0xb8: {  	s31 =	sshll.u32 s1, $0xD;
	s1 =	sshrl.u32 s1, $0x2  }
0xb9: {  	s3 =	sand.u32 $0x4000, s31;
	s1 =	sadd.s32 s1, s30  }
0xba: {  	s0 =	sor.u32 s3, s0;
	s1 =	sshll.u32 s1, $0x11  }
0xbb: {  	s0 =	sor.u32 s1, s0  }
0xbc: {  	s0 =	sadd.s32 $0x8F2B, s0  }
0xbd: {  	[sflag:s0] =	ssyncadd.remote.s32 $0x1  }
0xbe: {  	_ =	sfence.sel $0xFFFF  }
0xbf: {  	[dreg:$0x0] =	wrdreg $0xFFFFFFFF;
	(pc) =	sbr.abs _section_cstart, $3  }
0xc0: {  	[dreg:$0x1] =	wrdreg $0xFFFFFFFF  }
0xc1: {  	_ =	task.clear_ibuf [dreg:s7], $0x2FFFF;
	_ =	strace $0x9FFFFFFF  }
0xc2: {  	(tm) =	ssettm $0x7FFFFFFF  }
0xc3: {  	_ =	shalt  }
tec
execute0_lowered:
.L_overlay_start_1:
0x0: {  	(tag) =	ssettag $0x1  }
0x1: {  	s1 =	srdreg.scid  }
0x2: {  	s6 =	rddreg [dreg:$0x0];
	s0 =	stileid.u32  }
0x3: {  	s9 =	rddreg [dreg:$0x1];
	s2 =	simm.s32 $0x0;
	s12 =	simm.s32 $0x880  }
0x4: {  	s13 =	simm.s32 $0x1080;
	s14 =	simm.s32 $0x1880;
	s15 =	simm.s32 $0x2080  }
0x5: {  	s16 =	simm.s32 $0x2880;
	s17 =	simm.s32 $0x3080;
	s18 =	simm.s32 $0x3880  }
0x6: {  	s19 =	simm.s32 $0x4080;
	s20 =	simm.s32 $0x4880;
	s21 =	simm.s32 $0x5080  }
0x7: {  	s22 =	simm.s32 $0x5880;
	s23 =	simm.s32 $0x6080;
	s24 =	simm.s32 $0x6880  }
0x8: {  	s25 =	simm.s32 $0x7080;
	s26 =	simm.s32 $0x7880;
	s28 =	simm.s32 $0x1  }
0x9: {  	s29 =	simm.s32 $0x0;
	s8 =	sand.u32 $0x1, s1;
	s3 =	sshll.u32 s0, $0x9  }
0xa: {  	[smem:$0x7FF] =	sst s2;
	s11 =	sshll.u32 s0, $0x10;
	s4 =	sshll.u32 s8, $0x8  }
0xb: {  	s31 =	ssub.s32 $0x2, s8;
	_ =	strace $0x8000004A;
	s9 =	sadd.s32 s11, s9  }
0xc: {  	s8 =	sshll.u32 s8, $0xF;
	s11 =	simm.s32 $0x80;
	s3 =	sor.u32 s4, s3  }
0xd: {  	s5 =	sshrl.u32 s31, $0x1;
	s4 =	sadd.s32 $0x308300, s6;
	s8 =	sadd.s32 s8, s9  }
0xe: {  	v2 =	vlaneseq.u32;
	s3 =	sshrl.u32 s3, $0x3;
	s7 =	ssub.s32 s31, s5;
	s5 =	sadd.s32 $0x308400, s6  }
0xf: {  	vm0 =	vmmov $0xffff;
	v1 =	vshrl.u32 v2, $0x3;
	s10 =	sadd.s32 s3, s6;
	s3 =	sadd.s32 $0x308200, s6;
	s6 =	sadd.s32 $0x308500, s6  }
0x10: {  	v0 =	vand.u32 $0x7, v2;
	v2 =	vor.u32 $0x8, v2;
	v1 =	vmul.u32 $0x8, v1;
	s7 =	smax.u32 s7, $0x1;
	s9 =	sadd.s32 $0x7E00, s10;
	s10 =	simm.s32 $0x2  }
.LBB2_1:
0x11: {  	s30 =	smov.u32 s8;
	s31 =	simm.s32 $0x0  }
.LBB2_2:
0x12: {  	s1 =	sadd.s32 s31, s9  }
0x13: {  	[tilespmem:s2], [sflag:$0x2] =	stream.linear.gather [hbm4b:s1+s2], $0x20, $0x38;
	[tilespmem:$0x8080] =	vst v63  }
0x14: {  	_ =	swait.ge [sflag:s10], $0x20  }
0x15: {  	[sflag:s10] =	ssyncset.done $0x0  }
0x16: {  	[sflag:s10] =	ssyncadd.s32 $0xFFFFFFE0  }
0x17: {  	v3 =	vld [tilespmem:$0x0];
	_ =	sdelay $0x4  }
0x18: {  	v4 =	vshll.u32 v3, $0x3  }
0x19: {  	v3 =	vand.u32 $0x7, v3;
	v4 =	vand.u32 $0xFFFFFFC0, v4  }
0x1a: {  	v3 =	vor.u32 v3, v4  }
0x1b: {  	v4 =	vperm.xlane v3, v0;
	_ =	sdelay $0x1  }
0x1c: {  	v4 =	vadd.s32 v1, v4;
	_ =	sdelay $0x4  }
0x1d: {  	[tilespmem:s11], [sflag:$0x1] =	stream.indirect_vreg.gather [hbm4b:s3+s2], $0x80, v4, vm0, $0xb8;
	[tilespmem:$0x8080] =	vst v63  }
0x1e: {  	v3 =	vperm.xlane v3, v2  }
0x1f: {  	[tilespmem:s12], [sflag:$0x1] =	stream.indirect_vreg.gather [hbm4b:s4+s2], $0x80, v4, vm0, $0xb8;
	[tilespmem:$0x8080] =	vst v63  }
0x20: {  	v3 =	vadd.s32 v1, v3  }
0x21: {  	[tilespmem:s13], [sflag:$0x1] =	stream.indirect_vreg.gather [hbm4b:s5+s2], $0x80, v4, vm0, $0xb8;
	[tilespmem:$0x8080] =	vst v63  }
0x22: {  	_ = 	snop  }
0x23: {  	[tilespmem:s14], [sflag:$0x1] =	stream.indirect_vreg.gather [hbm4b:s6+s2], $0x80, v4, vm0, $0xb8;
	[tilespmem:$0x8080] =	vst v63  }
0x24: {  	_ = 	snop  }
0x25: {  	[tilespmem:s15], [sflag:$0x1] =	stream.indirect_vreg.gather [hbm4b:s3+s2], $0x80, v3, vm0, $0xb8;
	[tilespmem:$0x8080] =	vst v63  }
0x26: {  	_ = 	snop  }
0x27: {  	[tilespmem:s16], [sflag:$0x1] =	stream.indirect_vreg.gather [hbm4b:s4+s2], $0x80, v3, vm0, $0xb8;
	[tilespmem:$0x8080] =	vst v63  }
0x28: {  	_ = 	snop  }
0x29: {  	[tilespmem:s17], [sflag:$0x1] =	stream.indirect_vreg.gather [hbm4b:s5+s2], $0x80, v3, vm0, $0xb8;
	[tilespmem:$0x8080] =	vst v63  }
0x2a: {  	_ = 	snop  }
0x2b: {  	[tilespmem:s18], [sflag:$0x1] =	stream.indirect_vreg.gather [hbm4b:s6+s2], $0x80, v3, vm0, $0xb8;
	[tilespmem:$0x8080] =	vst v63  }
0x2c: {  	v3 =	vld [tilespmem:$0x10];
	_ =	sdelay $0x4  }
0x2d: {  	v63 =	vshll.u32 v3, $0x3  }
0x2e: {  	v3 =	vand.u32 $0x7, v3;
	v4 =	vand.u32 $0xFFFFFFC0, v63  }
0x2f: {  	v3 =	vor.u32 v3, v4  }
0x30: {  	v4 =	vperm.xlane v3, v0;
	_ =	sdelay $0x1  }
0x31: {  	v4 =	vadd.s32 v1, v4;
	_ =	sdelay $0x4  }
0x32: {  	[tilespmem:s19], [sflag:$0x1] =	stream.indirect_vreg.gather [hbm4b:s3+s2], $0x80, v4, vm0, $0xb8;
	[tilespmem:$0x8080] =	vst v63  }
0x33: {  	v3 =	vperm.xlane v3, v2  }
0x34: {  	[tilespmem:s20], [sflag:$0x1] =	stream.indirect_vreg.gather [hbm4b:s4+s2], $0x80, v4, vm0, $0xb8;
	[tilespmem:$0x8080] =	vst v63  }
0x35: {  	v3 =	vadd.s32 v1, v3  }
0x36: {  	[tilespmem:s21], [sflag:$0x1] =	stream.indirect_vreg.gather [hbm4b:s5+s2], $0x80, v4, vm0, $0xb8;
	[tilespmem:$0x8080] =	vst v63  }
0x37: {  	_ = 	snop  }
0x38: {  	[tilespmem:s22], [sflag:$0x1] =	stream.indirect_vreg.gather [hbm4b:s6+s2], $0x80, v4, vm0, $0xb8;
	[tilespmem:$0x8080] =	vst v63  }
0x39: {  	_ = 	snop  }
0x3a: {  	[tilespmem:s23], [sflag:$0x1] =	stream.indirect_vreg.gather [hbm4b:s3+s2], $0x80, v3, vm0, $0xb8;
	[tilespmem:$0x8080] =	vst v63  }
0x3b: {  	_ = 	snop  }
0x3c: {  	[tilespmem:s24], [sflag:$0x1] =	stream.indirect_vreg.gather [hbm4b:s4+s2], $0x80, v3, vm0, $0xb8;
	[tilespmem:$0x8080] =	vst v63  }
0x3d: {  	_ = 	snop  }
0x3e: {  	[tilespmem:s25], [sflag:$0x1] =	stream.indirect_vreg.gather [hbm4b:s5+s2], $0x80, v3, vm0, $0xb8;
	[tilespmem:$0x8080] =	vst v63  }
0x3f: {  	_ = 	snop  }
0x40: {  	[tilespmem:s26], [sflag:$0x1] =	stream.indirect_vreg.gather [hbm4b:s6+s2], $0x80, v3, vm0, $0xb8;
	[tilespmem:$0x8080] =	vst v63  }
0x41: {  	_ =	swait.ge [sflag:s28], $0x8000  }
0x42: {  	p0 =	sne.s32 s31, $0x1C;
	[sflag:s28] =	ssyncset.done $0x0  }
.Ltmp0:
0x43: {  	[sflag:s28] =	ssyncadd.s32 $0xFFFF8000;
	(pc) =	sbr.rel @p0 .LBB2_2-.Ltmp0, $4  }
0x44: {  	[hbm4b:s30+s2] =	stream.linear.scatter [tilespmem:s11], [sflag:$0x2], $0x8000, $0x38;
	[tilespmem:$0x8080] =	vst v63  }
0x45: {  	_ =	swait.ge [sflag:s10], $0x8000  }
0x46: {  	[sflag:s10] =	ssyncset.done $0x0  }
0x47: {  	s31 =	sadd.s32 $0x4, s31;
	s30 =	sadd.s32 $0x1000, s30;
	[sflag:s10] =	ssyncadd.s32 $0xFFFF8000  }
0x48: {  	s29 =	sadd.s32 $0x1, s29  }
0x49: {  	p0 =	sne.s32 s29, s7  }
.Ltmp1:
0x4a: {  	_ = 	snop;
	(pc) =	sbr.rel @p0 .LBB2_1-.Ltmp1, $1  }
0x4b: {  	_ =	sdelay $0x3  }
0x4c: {  	_ =	sfence.sel $0x180000  }
0x4d: {  	[bflag:$0x0] =	sbarrier.arrive $0xFFFF  }
0x4e: {  	_ =	strace $0x9000004A  }
0x4f: {  	[bflag:$0x2] =	sbarrier.arrive $0xFFFF  }
0x50: {  	p0 =	sne.s32 s0, $0x0;
	s0 =	rddreg [dreg:$0x2]  }
0x51: {  	s0 =	sadd.s32 @!p0 $0x100000, s0  }
0x52: {  	[sflag:s0] =	ssyncadd.tile.s32 @!p0 $0x1;
	_ =	shalt  }
.Lfunc_end2:
_tile_overlayer_lowered:
.L_overlay_start_2:
0x53: {  	(tag) =	ssettag $0x2  }
0x54: {  	s0 =	rddreg [dreg:$0x0];
	s2 =	stileid.u32  }
0x55: {  	s1 =	rddreg [dreg:$0x1];
	p0 =	sne.s32 s2, $0x0  }
0x56: {  	s3 =	rddreg [dreg:$0x2];
	[bflag:$0x3] =	sbarrier.arrive $0xFFFF;
	s2 =	simm.s32 @!p0 $0x1C02  }
0x57: {  	[timem:s3], [sflag:s2] =	dma.local @!p0 [hbm:s0], s1  }
0x58: {  	s0 =	simm.s32 @!p0 $0x2  }
0x59: {  	_ =	swait.ge @!p0 [sflag:s0], s1  }
0x5a: {  	s1 =	ssub.s32 @!p0 $0x0, s1;
	[sflag:s0] =	ssyncset.done @!p0 $0x0  }
0x5b: {  	[sflag:s0] =	ssyncadd.s32 @!p0 s1  }
0x5c: {  	[bflag:$0x3] =	sbarrier.arrive $0xFFFF  }
0x5d: {  	_ =	shalt  }

</sc_bundles>
